<compile_context>
chip_gen: v7x
topology: tpu7x:2x2x1
jax: 0.10.2.dev20260603
libtpu: 0.0.44.dev20260713+nightly
codegen_flags: <defaults>
</compile_context>

<pallas_src>
import jax
import jax.numpy as jnp
from jax import lax
from jax.experimental import pallas as pl
from jax.experimental.pallas import tpu as pltpu
from jax.experimental.pallas import tpu_sc as plsc

D = 2048
E = 8
K = 2
R3 = 512
R2 = 512
B = 4096
EPS = 1e-5
SCALE = 10.0
TEMP = 0.5

TA = 1024
TC = 1024


def _stage_a(x_ref, nw_ref, u_ref, xs_ref):
    x = x_ref[...]
    var = jnp.mean(x * x, axis=-1, keepdims=True)
    xn = x * jax.lax.rsqrt(var + EPS) * nw_ref[...]
    xs_ref[...] = (jnp.tanh(
        jnp.dot(xn, u_ref[...], preferred_element_type=jnp.float32)
        * (1.0 / SCALE)) * SCALE).astype(jnp.bfloat16)


def _stage_c(xs_ref, w_ref, g_ref, v_ref, o_ref):
    xs = xs_ref[...]
    w = w_ref[...]
    acc = jnp.zeros((TC, R2), dtype=jnp.float32)
    for e in range(E):
        he = jnp.dot(xs, g_ref[e], preferred_element_type=jnp.float32)
        acc = acc + w[:, e:e + 1] * he
    o_ref[...] = jnp.dot(acc, v_ref[...], preferred_element_type=jnp.float32)


_SC_INFO = plsc.get_sparse_core_info()
_NC = _SC_INFO.num_cores
_NS = _SC_INFO.num_subcores
_NW = _NC * _NS
_TPW = B // _NW


def _lane_perm(v, idx2d):
    return lax.gather(
        v, idx2d,
        lax.GatherDimensionNumbers(offset_dims=(), collapsed_slice_dims=(0,),
                                   start_index_map=(0,)),
        (1,), mode=lax.GatherScatterMode.PROMISE_IN_BOUNDS)


def _router_sc(probs_hbm, w_hbm, pr_v, w_v):
    wid = lax.axis_index("s") * _NC + lax.axis_index("c")
    base = wid * _TPW * E
    pltpu.sync_copy(probs_hbm.at[pl.ds(base, _TPW * E)], pr_v)

    lane = lax.iota(jnp.int32, 16)
    eid = lane & (E - 1)

    def chunk(c, _):
        v = pr_v[pl.ds(c * 16, 16)]
        m1, i1 = v, eid
        m2 = jnp.full((16,), -jnp.inf, jnp.float32)
        i2 = jnp.full((16,), E, jnp.int32)
        for s in (1, 2, 4):
            pidx = (lane ^ s).reshape(16, 1)
            m1p = _lane_perm(m1, pidx)
            i1p = _lane_perm(i1, pidx)
            m2p = _lane_perm(m2, pidx)
            i2p = _lane_perm(i2, pidx)
            b1 = (m1p > m1) | ((m1p == m1) & (i1p < i1))
            new_m1 = jnp.where(b1, m1p, m1)
            new_i1 = jnp.where(b1, i1p, i1)
            ca = jnp.where(b1, m2p, m2)
            cia = jnp.where(b1, i2p, i2)
            cb = jnp.where(b1, m1, m1p)
            cib = jnp.where(b1, i1, i1p)
            b2 = (cb > ca) | ((cb == ca) & (cib < cia))
            m2 = jnp.where(b2, cb, ca)
            i2 = jnp.where(b2, cib, cia)
            m1, i1 = new_m1, new_i1
        s2 = m1 + m2
        w1 = m1 / s2
        w2 = m2 / s2
        w = jnp.where(eid == i1, w1, jnp.where(eid == i2, w2, 0.0))
        w_v[pl.ds(c * 16, 16)] = w
        return _

    lax.fori_loop(0, _TPW * E // 16, chunk, 0)
    pltpu.sync_copy(w_v, w_hbm.at[pl.ds(base, _TPW * E)])


@jax.jit
def kernel(x, norm_w, W_router, U, G, V):
    var = jnp.mean(x.astype(jnp.float32) ** 2, axis=-1, keepdims=True)
    xn = (x * jax.lax.rsqrt(var + EPS) * norm_w).astype(x.dtype)
    logits = xn @ W_router
    probs_full = jax.nn.softmax(logits / TEMP, axis=-1)

    mesh = plsc.VectorSubcoreMesh(core_axis_name="c", subcore_axis_name="s")
    w_flat = pl.kernel(
        _router_sc,
        mesh=mesh,
        out_type=jax.ShapeDtypeStruct((B * E,), jnp.float32),
        scratch_types=[
            pltpu.VMEM((_TPW * E,), jnp.float32),
            pltpu.VMEM((_TPW * E,), jnp.float32),
        ],
    )(probs_full.reshape(B * E))
    w = w_flat.reshape(B, E)

    xs = pl.pallas_call(
        _stage_a,
        grid=(B // TA,),
        in_specs=[
            pl.BlockSpec((TA, D), lambda i: (i, 0)),
            pl.BlockSpec((1, D), lambda i: (0, 0)),
            pl.BlockSpec((D, R3), lambda i: (0, 0)),
        ],
        out_specs=pl.BlockSpec((TA, R3), lambda i: (i, 0)),
        out_shape=jax.ShapeDtypeStruct((B, R3), jnp.bfloat16),
    )(x, norm_w.reshape(1, D), U)

    return pl.pallas_call(
        _stage_c,
        grid=(B // TC,),
        in_specs=[
            pl.BlockSpec((TC, R3), lambda i: (i, 0)),
            pl.BlockSpec((TC, E), lambda i: (i, 0)),
            pl.BlockSpec((E, R3, R2), lambda i: (0, 0, 0)),
            pl.BlockSpec((R2, D), lambda i: (0, 0)),
        ],
        out_specs=pl.BlockSpec((TC, D), lambda i: (i, 0)),
        out_shape=jax.ShapeDtypeStruct((B, D), jnp.float32),
    )(xs, w, G, V)

# --- scband reference (transcript-rebuilt; emitter-appended) ---
"""Pipeline reference for scband-triton-tucker-mo-e-83846351552668 (READ-ONLY COPY).

The authoritative reference and input builder live on the scoring server;
editing this copy changes nothing except your own understanding.
"""

import jax, jax.numpy as jnp
import numpy as np

D = 2048   # d_model
E = 8      # num_experts
K = 2      # top_k
R3 = 512   # input latent rank
R2 = 512   # output latent rank
B = 4096   # tokens (batch 2 x seq 2048)
EPS = 1e-5
SCALE = 10.0
TEMP = 0.5  # get_router_temperature(step=None) -> t_end


def _rmsnorm(x, w):
    var = jnp.mean(x.astype(jnp.float32) ** 2, axis=-1, keepdims=True)
    return (x * jax.lax.rsqrt(var + EPS) * w).astype(x.dtype)


def _fast_scaled_tanh(x, scale=SCALE):
    return jnp.tanh(x * (1.0 / scale)) * scale


def setup_inputs(seed: int = 0) -> dict:
    key = jax.random.key(seed)
    ks = jax.random.split(key, 6)
    x = jax.random.normal(ks[0], (B, D), dtype=jnp.float32)
    norm_w = jnp.ones((D,), dtype=jnp.float32)
    W_router = jax.random.normal(ks[1], (D, E), dtype=jnp.float32) * 0.02
    U = jax.random.normal(ks[2], (D, R3), dtype=jnp.float32) * 0.02
    G = jax.random.normal(ks[3], (E, R3, R2), dtype=jnp.float32) * 0.02
    V = jax.random.normal(ks[4], (R2, D), dtype=jnp.float32) * 0.02
    return {"x": x, "norm_w": norm_w, "W_router": W_router, "U": U, "G": G, "V": V}


def reference(x, norm_w, W_router, U, G, V):
    # 1) pre-norm
    xn = _rmsnorm(x, norm_w)
    # 2) router: temperature softmax + top-k, renormalize top-k probs
    logits = xn @ W_router
    probs_full = jax.nn.softmax(logits / TEMP, axis=-1)
    topk_p, topk_i = jax.lax.top_k(probs_full, K)
    topk_p = topk_p / jnp.sum(topk_p, axis=-1, keepdims=True)
    # 3) shared down-projection into Tucker latent space + fast scaled tanh
    x_shared = _fast_scaled_tanh(xn @ U)
    # 4) FusedLatentMoE: out[b] = sum_k prob[b,k] * x_shared[b] @ G[idx[b,k]]
    #    expressed as dense combine-weight scatter + einsum (SparseCore-friendly)
    w = jnp.zeros((x.shape[0], E), dtype=jnp.float32)
    w = w.at[jnp.arange(x.shape[0])[:, None], topk_i].add(topk_p)
    h = jnp.einsum('br,ers->bes', x_shared, G)
    latent = jnp.einsum('bes,be->bs', h, w)
    # 5) up-projection back to d_model
    out = latent @ V
    return out

if __name__ == "__main__":
    import jax
    _d = setup_inputs()
    print(jax.jit(kernel)(*tuple(_d.values())))

</pallas_src>

<mosaic_0001>
#map = affine_map<(d0, d1) -> (0)>
module attributes {stable_mosaic.version = 14 : i64} {
  func.func @_router_sc(%arg0: i32, %arg1: i32, %arg2: memref<32768xf32, #tpu.memory_space<hbm>>, %arg3: memref<32768xf32, #tpu.memory_space<hbm>>, %arg4: memref<1024xf32, #tpu.memory_space<vmem>>, %arg5: memref<1024xf32, #tpu.memory_space<vmem>>) attributes {dimension_semantics = [#tpu.dimension_semantics<core_parallel>, #tpu.dimension_semantics<subcore_parallel>], iteration_bounds = array<i64: 2, 16>, scalar_prefetch = 0 : i64, scratch_operands = 2 : i64, tpu.core_type = #tpu.core_type<sc_vector_subcore>, window_params = [{transform_indices = #map}, {transform_indices = #map}]} {
    %mul3A = arith.constant 2 : i32
    %mul3A_0 = arith.muli %arg1, %mul3A : i32
    %add3A = arith.addi %mul3A_0, %arg0 : i32
    %mul3A_1 = arith.constant 128 : i32
    %mul3A_2 = arith.muli %add3A, %mul3A_1 : i32
    %mul3A_3 = arith.constant 8 : i32
    %mul3A_4 = arith.muli %mul3A_2, %mul3A_3 : i32
    "tpu.region"() ({
      %run_scoped3A = tpu.sem_alloc : memref<!tpu.dma_semaphore, #tpu.memory_space<semaphore_mem>>
      %dma_start3A = tpu.memref_slice %arg2[%mul3A_4] : memref<32768xf32, #tpu.memory_space<hbm>> -> memref<1024xf32, #tpu.memory_space<hbm>>
      %dma_start3A_12 = tpu.memref_slice %arg2[%mul3A_4] : memref<32768xf32, #tpu.memory_space<hbm>> -> memref<1024xf32, #tpu.memory_space<hbm>>
      tpu.enqueue_dma source(%dma_start3A_12 : memref<1024xf32, #tpu.memory_space<hbm>>) target(%arg4 : memref<1024xf32, #tpu.memory_space<vmem>>) target_semaphore(%run_scoped3A : memref<!tpu.dma_semaphore, #tpu.memory_space<semaphore_mem>>)
      %dma_wait3A = tpu.memref_slice %arg2[%mul3A_4] : memref<32768xf32, #tpu.memory_space<hbm>> -> memref<1024xf32, #tpu.memory_space<hbm>>
      %dma_wait3A_13 = tpu.memref_slice %arg2[%mul3A_4] : memref<32768xf32, #tpu.memory_space<hbm>> -> memref<1024xf32, #tpu.memory_space<hbm>>
      tpu.wait_dma2 semaphore(%run_scoped3A : memref<!tpu.dma_semaphore, #tpu.memory_space<semaphore_mem>>) src(%dma_wait3A_13 : memref<1024xf32, #tpu.memory_space<hbm>>) dst(%arg4 : memref<1024xf32, #tpu.memory_space<vmem>>)
      tpu.yield
    }) : () -> ()
    %iota3A = tpu.iota {dimensions = array<i32: 0>} : vector<16xi32>
    %and3A = arith.constant 7 : i32
    %and3A_5 = vector.broadcast %and3A : i32 to vector<16xi32>
    %and3A_6 = arith.andi %iota3A, %and3A_5 : vector<16xi32>
    %scan3A = arith.constant 0 : i32
    %scan3A_7 = arith.constant 0 : i32
    %scan3A_8 = arith.constant 64 : i32
    %scan3A_9 = arith.addi %scan3A_7, %scan3A_8 : i32
    %scan3A_10 = arith.constant 1 : i32
    scf.for %scan3A_12 = %scan3A_7 to %scan3A_9 step %scan3A_10  : i32 {
      %mul3A_13 = arith.constant 16 : i32
      %mul3A_14 = arith.muli %scan3A_12, %mul3A_13 : i32
      %get3A = arith.index_cast %mul3A_14 : i32 to index
      %get3A_15 = tpu.vector_load %arg4[%get3A] {strides = array<i32>} : memref<1024xf32, #tpu.memory_space<vmem>>, vector<16xf32>,
      %get3A_16 = vector.shape_cast %get3A_15 : vector<16xf32> to vector<16xf32>
      %broadcast_in_dim3A = arith.constant 0xFF800000 : f32
      %broadcast_in_dim3A_17 = vector.broadcast %broadcast_in_dim3A : f32 to vector<16xf32>
      %broadcast_in_dim3A_18 = arith.constant 8 : i32
      %broadcast_in_dim3A_19 = vector.broadcast %broadcast_in_dim3A_18 : i32 to vector<16xi32>
      %xor3A = arith.constant 1 : i32
      %xor3A_20 = vector.broadcast %xor3A : i32 to vector<16xi32>
      %xor3A_21 = arith.xori %iota3A, %xor3A_20 : vector<16xi32>
      %reshape3A = vector.shape_cast %xor3A_21 : vector<16xi32> to vector<16x1xi32>
      %gather3A = vector.shape_cast %reshape3A : vector<16x1xi32> to vector<16xi32>
      %gather3A_22 = tpu.dynamic_gather %get3A_16[%gather3A] in [0] : vector<16xf32>, vector<16xi32> -> vector<16xf32>
      %gather3A_23 = vector.shape_cast %reshape3A : vector<16x1xi32> to vector<16xi32>
      %gather3A_24 = tpu.dynamic_gather %and3A_6[%gather3A_23] in [0] : vector<16xi32>, vector<16xi32> -> vector<16xi32>
      %gather3A_25 = vector.shape_cast %reshape3A : vector<16x1xi32> to vector<16xi32>
      %gather3A_26 = tpu.dynamic_gather %broadcast_in_dim3A_17[%gather3A_25] in [0] : vector<16xf32>, vector<16xi32> -> vector<16xf32>
      %gather3A_27 = vector.shape_cast %reshape3A : vector<16x1xi32> to vector<16xi32>
      %gather3A_28 = tpu.dynamic_gather %broadcast_in_dim3A_19[%gather3A_27] in [0] : vector<16xi32>, vector<16xi32> -> vector<16xi32>
      %gt3A = arith.cmpf ogt, %gather3A_22, %get3A_16 : vector<16xf32>
      %eq3A = arith.cmpf oeq, %gather3A_22, %get3A_16 : vector<16xf32>
      %lt3A = arith.cmpi slt, %gather3A_24, %and3A_6 : vector<16xi32>
      %and3A_29 = arith.andi %eq3A, %lt3A : vector<16xi1>
      %or3A = arith.ori %gt3A, %and3A_29 : vector<16xi1>
      %select_n3A = arith.select %or3A, %gather3A_22, %get3A_16 : vector<16xi1>, vector<16xf32>
      %select_n3A_30 = arith.select %or3A, %gather3A_24, %and3A_6 : vector<16xi1>, vector<16xi32>
      %select_n3A_31 = arith.select %or3A, %gather3A_26, %broadcast_in_dim3A_17 : vector<16xi1>, vector<16xf32>
      %select_n3A_32 = arith.select %or3A, %gather3A_28, %broadcast_in_dim3A_19 : vector<16xi1>, vector<16xi32>
      %select_n3A_33 = arith.select %or3A, %get3A_16, %gather3A_22 : vector<16xi1>, vector<16xf32>
      %select_n3A_34 = arith.select %or3A, %and3A_6, %gather3A_24 : vector<16xi1>, vector<16xi32>
      %gt3A_35 = arith.cmpf ogt, %select_n3A_33, %select_n3A_31 : vector<16xf32>
      %eq3A_36 = arith.cmpf oeq, %select_n3A_33, %select_n3A_31 : vector<16xf32>
      %lt3A_37 = arith.cmpi slt, %select_n3A_34, %select_n3A_32 : vector<16xi32>
      %and3A_38 = arith.andi %eq3A_36, %lt3A_37 : vector<16xi1>
      %or3A_39 = arith.ori %gt3A_35, %and3A_38 : vector<16xi1>
      %select_n3A_40 = arith.select %or3A_39, %select_n3A_33, %select_n3A_31 : vector<16xi1>, vector<16xf32>
      %select_n3A_41 = arith.select %or3A_39, %select_n3A_34, %select_n3A_32 : vector<16xi1>, vector<16xi32>
      %xor3A_42 = arith.constant 2 : i32
      %xor3A_43 = vector.broadcast %xor3A_42 : i32 to vector<16xi32>
      %xor3A_44 = arith.xori %iota3A, %xor3A_43 : vector<16xi32>
      %reshape3A_45 = vector.shape_cast %xor3A_44 : vector<16xi32> to vector<16x1xi32>
      %gather3A_46 = vector.shape_cast %reshape3A_45 : vector<16x1xi32> to vector<16xi32>
      %gather3A_47 = tpu.dynamic_gather %select_n3A[%gather3A_46] in [0] : vector<16xf32>, vector<16xi32> -> vector<16xf32>
      %gather3A_48 = vector.shape_cast %reshape3A_45 : vector<16x1xi32> to vector<16xi32>
      %gather3A_49 = tpu.dynamic_gather %select_n3A_30[%gather3A_48] in [0] : vector<16xi32>, vector<16xi32> -> vector<16xi32>
      %gather3A_50 = vector.shape_cast %reshape3A_45 : vector<16x1xi32> to vector<16xi32>
      %gather3A_51 = tpu.dynamic_gather %select_n3A_40[%gather3A_50] in [0] : vector<16xf32>, vector<16xi32> -> vector<16xf32>
      %gather3A_52 = vector.shape_cast %reshape3A_45 : vector<16x1xi32> to vector<16xi32>
      %gather3A_53 = tpu.dynamic_gather %select_n3A_41[%gather3A_52] in [0] : vector<16xi32>, vector<16xi32> -> vector<16xi32>
      %gt3A_54 = arith.cmpf ogt, %gather3A_47, %select_n3A : vector<16xf32>
      %eq3A_55 = arith.cmpf oeq, %gather3A_47, %select_n3A : vector<16xf32>
      %lt3A_56 = arith.cmpi slt, %gather3A_49, %select_n3A_30 : vector<16xi32>
      %and3A_57 = arith.andi %eq3A_55, %lt3A_56 : vector<16xi1>
      %or3A_58 = arith.ori %gt3A_54, %and3A_57 : vector<16xi1>
      %select_n3A_59 = arith.select %or3A_58, %gather3A_47, %select_n3A : vector<16xi1>, vector<16xf32>
      %select_n3A_60 = arith.select %or3A_58, %gather3A_49, %select_n3A_30 : vector<16xi1>, vector<16xi32>
      %select_n3A_61 = arith.select %or3A_58, %gather3A_51, %select_n3A_40 : vector<16xi1>, vector<16xf32>
      %select_n3A_62 = arith.select %or3A_58, %gather3A_53, %select_n3A_41 : vector<16xi1>, vector<16xi32>
      %select_n3A_63 = arith.select %or3A_58, %select_n3A, %gather3A_47 : vector<16xi1>, vector<16xf32>
      %select_n3A_64 = arith.select %or3A_58, %select_n3A_30, %gather3A_49 : vector<16xi1>, vector<16xi32>
      %gt3A_65 = arith.cmpf ogt, %select_n3A_63, %select_n3A_61 : vector<16xf32>
      %eq3A_66 = arith.cmpf oeq, %select_n3A_63, %select_n3A_61 : vector<16xf32>
      %lt3A_67 = arith.cmpi slt, %select_n3A_64, %select_n3A_62 : vector<16xi32>
      %and3A_68 = arith.andi %eq3A_66, %lt3A_67 : vector<16xi1>
      %or3A_69 = arith.ori %gt3A_65, %and3A_68 : vector<16xi1>
      %select_n3A_70 = arith.select %or3A_69, %select_n3A_63, %select_n3A_61 : vector<16xi1>, vector<16xf32>
      %select_n3A_71 = arith.select %or3A_69, %select_n3A_64, %select_n3A_62 : vector<16xi1>, vector<16xi32>
      %xor3A_72 = arith.constant 4 : i32
      %xor3A_73 = vector.broadcast %xor3A_72 : i32 to vector<16xi32>
      %xor3A_74 = arith.xori %iota3A, %xor3A_73 : vector<16xi32>
      %reshape3A_75 = vector.shape_cast %xor3A_74 : vector<16xi32> to vector<16x1xi32>
      %gather3A_76 = vector.shape_cast %reshape3A_75 : vector<16x1xi32> to vector<16xi32>
      %gather3A_77 = tpu.dynamic_gather %select_n3A_59[%gather3A_76] in [0] : vector<16xf32>, vector<16xi32> -> vector<16xf32>
      %gather3A_78 = vector.shape_cast %reshape3A_75 : vector<16x1xi32> to vector<16xi32>
      %gather3A_79 = tpu.dynamic_gather %select_n3A_60[%gather3A_78] in [0] : vector<16xi32>, vector<16xi32> -> vector<16xi32>
      %gather3A_80 = vector.shape_cast %reshape3A_75 : vector<16x1xi32> to vector<16xi32>
      %gather3A_81 = tpu.dynamic_gather %select_n3A_70[%gather3A_80] in [0] : vector<16xf32>, vector<16xi32> -> vector<16xf32>
      %gather3A_82 = vector.shape_cast %reshape3A_75 : vector<16x1xi32> to vector<16xi32>
      %gather3A_83 = tpu.dynamic_gather %select_n3A_71[%gather3A_82] in [0] : vector<16xi32>, vector<16xi32> -> vector<16xi32>
      %gt3A_84 = arith.cmpf ogt, %gather3A_77, %select_n3A_59 : vector<16xf32>
      %eq3A_85 = arith.cmpf oeq, %gather3A_77, %select_n3A_59 : vector<16xf32>
      %lt3A_86 = arith.cmpi slt, %gather3A_79, %select_n3A_60 : vector<16xi32>
      %and3A_87 = arith.andi %eq3A_85, %lt3A_86 : vector<16xi1>
      %or3A_88 = arith.ori %gt3A_84, %and3A_87 : vector<16xi1>
      %select_n3A_89 = arith.select %or3A_88, %gather3A_77, %select_n3A_59 : vector<16xi1>, vector<16xf32>
      %select_n3A_90 = arith.select %or3A_88, %gather3A_79, %select_n3A_60 : vector<16xi1>, vector<16xi32>
      %select_n3A_91 = arith.select %or3A_88, %gather3A_81, %select_n3A_70 : vector<16xi1>, vector<16xf32>
      %select_n3A_92 = arith.select %or3A_88, %gather3A_83, %select_n3A_71 : vector<16xi1>, vector<16xi32>
      %select_n3A_93 = arith.select %or3A_88, %select_n3A_59, %gather3A_77 : vector<16xi1>, vector<16xf32>
      %select_n3A_94 = arith.select %or3A_88, %select_n3A_60, %gather3A_79 : vector<16xi1>, vector<16xi32>
      %gt3A_95 = arith.cmpf ogt, %select_n3A_93, %select_n3A_91 : vector<16xf32>
      %eq3A_96 = arith.cmpf oeq, %select_n3A_93, %select_n3A_91 : vector<16xf32>
      %lt3A_97 = arith.cmpi slt, %select_n3A_94, %select_n3A_92 : vector<16xi32>
      %and3A_98 = arith.andi %eq3A_96, %lt3A_97 : vector<16xi1>
      %or3A_99 = arith.ori %gt3A_95, %and3A_98 : vector<16xi1>
      %select_n3A_100 = arith.select %or3A_99, %select_n3A_93, %select_n3A_91 : vector<16xi1>, vector<16xf32>
      %select_n3A_101 = arith.select %or3A_99, %select_n3A_94, %select_n3A_92 : vector<16xi1>, vector<16xi32>
      %add3A_102 = arith.addf %select_n3A_89, %select_n3A_100 : vector<16xf32>
      %div3A = arith.divf %select_n3A_89, %add3A_102 : vector<16xf32>
      %div3A_103 = arith.divf %select_n3A_100, %add3A_102 : vector<16xf32>
      %eq3A_104 = arith.cmpi eq, %and3A_6, %select_n3A_90 : vector<16xi32>
      %eq3A_105 = arith.cmpi eq, %and3A_6, %select_n3A_101 : vector<16xi32>
      %jit3A = arith.constant 0.000000e+00 : f32
      %broadcast_in_dim3A_106 = vector.broadcast %jit3A : f32 to vector<16xf32>
      %select_n3A_107 = arith.select %eq3A_105, %div3A_103, %broadcast_in_dim3A_106 : vector<16xi1>, vector<16xf32>
      %select_n3A_108 = arith.select %eq3A_104, %div3A, %select_n3A_107 : vector<16xi1>, vector<16xf32>
      %mul3A_109 = arith.constant 16 : i32
      %mul3A_110 = arith.muli %scan3A_12, %mul3A_109 : i32
      %swap3A = arith.index_cast %mul3A_110 : i32 to index
      %swap3A_111 = tpu.vector_load %arg5[%swap3A] {strides = array<i32>} : memref<1024xf32, #tpu.memory_space<vmem>>, vector<16xf32>,
      %swap3A_112 = vector.shape_cast %swap3A_111 : vector<16xf32> to vector<16xf32>
      %swap3A_113 = vector.shape_cast %select_n3A_108 : vector<16xf32> to vector<16xf32>
      tpu.vector_store %arg5[%swap3A], %swap3A_113 {strides = array<i32>} : memref<1024xf32, #tpu.memory_space<vmem>>, vector<16xf32>,
    }
    %scan3A_11 = arith.constant 64 : i32
    "tpu.region"() ({
      %run_scoped3A = tpu.sem_alloc : memref<!tpu.dma_semaphore, #tpu.memory_space<semaphore_mem>>
      %dma_start3A = tpu.memref_slice %arg3[%mul3A_4] : memref<32768xf32, #tpu.memory_space<hbm>> -> memref<1024xf32, #tpu.memory_space<hbm>>
      %dma_start3A_12 = tpu.memref_slice %arg3[%mul3A_4] : memref<32768xf32, #tpu.memory_space<hbm>> -> memref<1024xf32, #tpu.memory_space<hbm>>
      tpu.enqueue_dma source(%arg5 : memref<1024xf32, #tpu.memory_space<vmem>>) target(%dma_start3A_12 : memref<1024xf32, #tpu.memory_space<hbm>>) target_semaphore(%run_scoped3A : memref<!tpu.dma_semaphore, #tpu.memory_space<semaphore_mem>>)
      %dma_wait3A = tpu.memref_slice %arg3[%mul3A_4] : memref<32768xf32, #tpu.memory_space<hbm>> -> memref<1024xf32, #tpu.memory_space<hbm>>
      %dma_wait3A_13 = tpu.memref_slice %arg3[%mul3A_4] : memref<32768xf32, #tpu.memory_space<hbm>> -> memref<1024xf32, #tpu.memory_space<hbm>>
      tpu.wait_dma2 semaphore(%run_scoped3A : memref<!tpu.dma_semaphore, #tpu.memory_space<semaphore_mem>>) src(%arg5 : memref<1024xf32, #tpu.memory_space<vmem>>) dst(%dma_wait3A_13 : memref<1024xf32, #tpu.memory_space<hbm>>)
      tpu.yield
    }) : () -> ()
    return
  }
}

module attributes {stable_mosaic.version = 14 : i64} {
  func.func @_stage_a(%arg0: i32, %arg1: memref<1024x2048xf32, #tpu.memory_space<vmem>>, %arg2: memref<1x2048xf32, #tpu.memory_space<vmem>>, %arg3: memref<2048x512xf32, #tpu.memory_space<vmem>>, %arg4: memref<1024x512xbf16, #tpu.memory_space<vmem>>) attributes {dimension_semantics = [#tpu.dimension_semantics<arbitrary>], iteration_bounds = array<i64: 4>, scalar_prefetch = 0 : i64, scratch_operands = 0 : i64, tpu.core_type = #tpu.core_type<tc>, window_params = [{transform_indices = @transform_0, window_bounds = array<i64: 1024, 2048>}, {pipeline_mode = #tpu.pipeline_mode<synchronous>, transform_indices = @transform_1, window_bounds = array<i64: 1, 2048>}, {pipeline_mode = #tpu.pipeline_mode<synchronous>, transform_indices = @transform_2, window_bounds = array<i64: 2048, 512>}, {transform_indices = @transform_3, window_bounds = array<i64: 1024, 512>}]} {
    %get3A = arith.constant 0 : index
    %get3A_0 = arith.constant 0 : index
    %get3A_1 = vector.load %arg1[%get3A, %get3A_0] : memref<1024x2048xf32, #tpu.memory_space<vmem>>, vector<1024x2048xf32>
    %mul3A = arith.mulf %get3A_1, %get3A_1 : vector<1024x2048xf32>
    %reduce_sum3A = arith.constant dense<0.000000e+00> : vector<1024xf32>
    %reduce_sum3A_2 = vector.multi_reduction <add>, %mul3A, %reduce_sum3A [1] : vector<1024x2048xf32> to vector<1024xf32>
    %broadcast_in_dim3A = vector.shape_cast %reduce_sum3A_2 : vector<1024xf32> to vector<1024x1xf32>
    %div3A = arith.constant 2.048000e+03 : f32
    %div3A_3 = vector.broadcast %div3A : f32 to vector<1024x1xf32>
    %div3A_4 = arith.divf %broadcast_in_dim3A, %div3A_3 : vector<1024x1xf32>
    %add3A = arith.constant 9.99999974E-6 : f32
    %add3A_5 = vector.broadcast %add3A : f32 to vector<1024x1xf32>
    %add3A_6 = arith.addf %div3A_4, %add3A_5 : vector<1024x1xf32>
    %rsqrt3A = math.rsqrt %add3A_6 : vector<1024x1xf32>
    %mul3A_7 = vector.broadcast %rsqrt3A : vector<1024x1xf32> to vector<1024x2048xf32>
    %mul3A_8 = arith.mulf %get3A_1, %mul3A_7 : vector<1024x2048xf32>
    %get3A_9 = arith.constant 0 : index
    %get3A_10 = arith.constant 0 : index
    %get3A_11 = vector.load %arg2[%get3A_9, %get3A_10] : memref<1x2048xf32, #tpu.memory_space<vmem>>, vector<1x2048xf32>
    %mul3A_12 = vector.broadcast %get3A_11 : vector<1x2048xf32> to vector<1024x2048xf32>
    %mul3A_13 = arith.mulf %mul3A_8, %mul3A_12 : vector<1024x2048xf32>
    %get3A_14 = arith.constant 0 : index
    %get3A_15 = arith.constant 0 : index
    %get3A_16 = vector.load %arg3[%get3A_14, %get3A_15] : memref<2048x512xf32, #tpu.memory_space<vmem>>, vector<2048x512xf32>
    %dot_general3A = arith.constant dense<0.000000e+00> : vector<1024x512xf32>
    %dot_general3A_17 = tpu.matmul %mul3A_13, %get3A_16, %dot_general3A {dimension_numbers = #tpu.dot_dimension_numbers<[1], [0], [0], [1], [0, 0, 1, 1], [], []>, transpose_lhs_hint = false} : vector<1024x2048xf32>, vector<2048x512xf32>, vector<1024x512xf32> -> vector<1024x512xf32>
    %mul3A_18 = arith.constant 1.000000e-01 : f32
    %mul3A_19 = vector.broadcast %mul3A_18 : f32 to vector<1024x512xf32>
    %mul3A_20 = arith.mulf %dot_general3A_17, %mul3A_19 : vector<1024x512xf32>
    %tanh3A = math.tanh %mul3A_20 : vector<1024x512xf32>
    %mul3A_21 = arith.constant 1.000000e+01 : f32
    %mul3A_22 = vector.broadcast %mul3A_21 : f32 to vector<1024x512xf32>
    %mul3A_23 = arith.mulf %tanh3A, %mul3A_22 : vector<1024x512xf32>
    %convert_element_type3A = arith.truncf %mul3A_23 : vector<1024x512xf32> to vector<1024x512xbf16>
    %swap3A = arith.constant 0 : index
    %swap3A_24 = arith.constant 0 : index
    %swap3A_25 = vector.load %arg4[%swap3A, %swap3A_24] : memref<1024x512xbf16, #tpu.memory_space<vmem>>, vector<1024x512xbf16>
    tpu.vector_store %arg4[%swap3A, %swap3A_24], %convert_element_type3A {strides = array<i32>} : memref<1024x512xbf16, #tpu.memory_space<vmem>>, vector<1024x512xbf16>,
    return
  }
  func.func @transform_0(%arg0: i32) -> (i32, i32) {
    %c0_i32 = arith.constant 0 : i32
    %c0_i32_0 = arith.constant 0 : i32
    return %arg0, %c0_i32 : i32, i32
  }
  func.func @transform_1(%arg0: i32) -> (i32, i32) {
    %c0_i32 = arith.constant 0 : i32
    %c0_i32_0 = arith.constant 0 : i32
    %c0_i32_1 = arith.constant 0 : i32
    return %c0_i32, %c0_i32_0 : i32, i32
  }
  func.func @transform_2(%arg0: i32) -> (i32, i32) {
    %c0_i32 = arith.constant 0 : i32
    %c0_i32_0 = arith.constant 0 : i32
    %c0_i32_1 = arith.constant 0 : i32
    return %c0_i32, %c0_i32_0 : i32, i32
  }
  func.func @transform_3(%arg0: i32) -> (i32, i32) {
    %c0_i32 = arith.constant 0 : i32
    %c0_i32_0 = arith.constant 0 : i32
    return %arg0, %c0_i32 : i32, i32
  }
}

module attributes {stable_mosaic.version = 14 : i64} {
  func.func @_stage_c(%arg0: i32, %arg1: memref<1024x512xbf16, #tpu.memory_space<vmem>>, %arg2: memref<1024x8xf32, #tpu.memory_space<vmem>>, %arg3: memref<8x512x512xf32, #tpu.memory_space<vmem>>, %arg4: memref<512x2048xf32, #tpu.memory_space<vmem>>, %arg5: memref<1024x2048xf32, #tpu.memory_space<vmem>>) attributes {dimension_semantics = [#tpu.dimension_semantics<arbitrary>], iteration_bounds = array<i64: 4>, scalar_prefetch = 0 : i64, scratch_operands = 0 : i64, tpu.core_type = #tpu.core_type<tc>, window_params = [{transform_indices = @transform_0, window_bounds = array<i64: 1024, 512>}, {transform_indices = @transform_1, window_bounds = array<i64: 1024, 8>}, {pipeline_mode = #tpu.pipeline_mode<synchronous>, transform_indices = @transform_2, window_bounds = array<i64: 8, 512, 512>}, {pipeline_mode = #tpu.pipeline_mode<synchronous>, transform_indices = @transform_3, window_bounds = array<i64: 512, 2048>}, {transform_indices = @transform_4, window_bounds = array<i64: 1024, 2048>}]} {
    %get3A = arith.constant 0 : index
    %get3A_0 = arith.constant 0 : index
    %get3A_1 = vector.load %arg1[%get3A, %get3A_0] : memref<1024x512xbf16, #tpu.memory_space<vmem>>, vector<1024x512xbf16>
    %get3A_2 = arith.constant 0 : index
    %get3A_3 = arith.constant 0 : index
    %get3A_4 = vector.load %arg2[%get3A_2, %get3A_3] : memref<1024x8xf32, #tpu.memory_space<vmem>>, vector<1024x8xf32>
    %broadcast_in_dim3A = arith.constant 0.000000e+00 : f32
    %broadcast_in_dim3A_5 = vector.broadcast %broadcast_in_dim3A : f32 to vector<1024x512xf32>
    %get3A_6 = arith.constant 0 : index
    %get3A_7 = arith.constant 0 : index
    %get3A_8 = arith.constant 0 : index
    %get3A_9 = vector.load %arg3[%get3A_6, %get3A_7, %get3A_8] : memref<8x512x512xf32, #tpu.memory_space<vmem>>, vector<1x512x512xf32>
    %get3A_10 = vector.shape_cast %get3A_9 : vector<1x512x512xf32> to vector<512x512xf32>
    %dot_general3A = arith.constant dense<0.000000e+00> : vector<1024x512xf32>
    %dot_general3A_11 = tpu.matmul %get3A_1, %get3A_10, %dot_general3A {dimension_numbers = #tpu.dot_dimension_numbers<[1], [0], [0], [1], [0, 0, 1, 1], [], []>, transpose_lhs_hint = false} : vector<1024x512xbf16>, vector<512x512xf32>, vector<1024x512xf32> -> vector<1024x512xf32>
    %slice3A = vector.extract_strided_slice %get3A_4 {offsets = [0, 0], sizes = [1024, 1], strides = [1, 1]} : vector<1024x8xf32> to vector<1024x1xf32>
    %mul3A = vector.broadcast %slice3A : vector<1024x1xf32> to vector<1024x512xf32>
    %mul3A_12 = arith.mulf %mul3A, %dot_general3A_11 : vector<1024x512xf32>
    %add3A = arith.addf %broadcast_in_dim3A_5, %mul3A_12 : vector<1024x512xf32>
    %get3A_13 = arith.constant 1 : index
    %get3A_14 = arith.constant 0 : index
    %get3A_15 = arith.constant 0 : index
    %get3A_16 = vector.load %arg3[%get3A_13, %get3A_14, %get3A_15] : memref<8x512x512xf32, #tpu.memory_space<vmem>>, vector<1x512x512xf32>
    %get3A_17 = vector.shape_cast %get3A_16 : vector<1x512x512xf32> to vector<512x512xf32>
    %dot_general3A_18 = arith.constant dense<0.000000e+00> : vector<1024x512xf32>
    %dot_general3A_19 = tpu.matmul %get3A_1, %get3A_17, %dot_general3A_18 {dimension_numbers = #tpu.dot_dimension_numbers<[1], [0], [0], [1], [0, 0, 1, 1], [], []>, transpose_lhs_hint = false} : vector<1024x512xbf16>, vector<512x512xf32>, vector<1024x512xf32> -> vector<1024x512xf32>
    %slice3A_20 = vector.extract_strided_slice %get3A_4 {offsets = [0, 1], sizes = [1024, 1], strides = [1, 1]} : vector<1024x8xf32> to vector<1024x1xf32>
    %mul3A_21 = vector.broadcast %slice3A_20 : vector<1024x1xf32> to vector<1024x512xf32>
    %mul3A_22 = arith.mulf %mul3A_21, %dot_general3A_19 : vector<1024x512xf32>
    %add3A_23 = arith.addf %add3A, %mul3A_22 : vector<1024x512xf32>
    %get3A_24 = arith.constant 2 : index
    %get3A_25 = arith.constant 0 : index
    %get3A_26 = arith.constant 0 : index
    %get3A_27 = vector.load %arg3[%get3A_24, %get3A_25, %get3A_26] : memref<8x512x512xf32, #tpu.memory_space<vmem>>, vector<1x512x512xf32>
    %get3A_28 = vector.shape_cast %get3A_27 : vector<1x512x512xf32> to vector<512x512xf32>
    %dot_general3A_29 = arith.constant dense<0.000000e+00> : vector<1024x512xf32>
    %dot_general3A_30 = tpu.matmul %get3A_1, %get3A_28, %dot_general3A_29 {dimension_numbers = #tpu.dot_dimension_numbers<[1], [0], [0], [1], [0, 0, 1, 1], [], []>, transpose_lhs_hint = false} : vector<1024x512xbf16>, vector<512x512xf32>, vector<1024x512xf32> -> vector<1024x512xf32>
    %slice3A_31 = vector.extract_strided_slice %get3A_4 {offsets = [0, 2], sizes = [1024, 1], strides = [1, 1]} : vector<1024x8xf32> to vector<1024x1xf32>
    %mul3A_32 = vector.broadcast %slice3A_31 : vector<1024x1xf32> to vector<1024x512xf32>
    %mul3A_33 = arith.mulf %mul3A_32, %dot_general3A_30 : vector<1024x512xf32>
    %add3A_34 = arith.addf %add3A_23, %mul3A_33 : vector<1024x512xf32>
    %get3A_35 = arith.constant 3 : index
    %get3A_36 = arith.constant 0 : index
    %get3A_37 = arith.constant 0 : index
    %get3A_38 = vector.load %arg3[%get3A_35, %get3A_36, %get3A_37] : memref<8x512x512xf32, #tpu.memory_space<vmem>>, vector<1x512x512xf32>
    %get3A_39 = vector.shape_cast %get3A_38 : vector<1x512x512xf32> to vector<512x512xf32>
    %dot_general3A_40 = arith.constant dense<0.000000e+00> : vector<1024x512xf32>
    %dot_general3A_41 = tpu.matmul %get3A_1, %get3A_39, %dot_general3A_40 {dimension_numbers = #tpu.dot_dimension_numbers<[1], [0], [0], [1], [0, 0, 1, 1], [], []>, transpose_lhs_hint = false} : vector<1024x512xbf16>, vector<512x512xf32>, vector<1024x512xf32> -> vector<1024x512xf32>
    %slice3A_42 = vector.extract_strided_slice %get3A_4 {offsets = [0, 3], sizes = [1024, 1], strides = [1, 1]} : vector<1024x8xf32> to vector<1024x1xf32>
    %mul3A_43 = vector.broadcast %slice3A_42 : vector<1024x1xf32> to vector<1024x512xf32>
    %mul3A_44 = arith.mulf %mul3A_43, %dot_general3A_41 : vector<1024x512xf32>
    %add3A_45 = arith.addf %add3A_34, %mul3A_44 : vector<1024x512xf32>
    %get3A_46 = arith.constant 4 : index
    %get3A_47 = arith.constant 0 : index
    %get3A_48 = arith.constant 0 : index
    %get3A_49 = vector.load %arg3[%get3A_46, %get3A_47, %get3A_48] : memref<8x512x512xf32, #tpu.memory_space<vmem>>, vector<1x512x512xf32>
    %get3A_50 = vector.shape_cast %get3A_49 : vector<1x512x512xf32> to vector<512x512xf32>
    %dot_general3A_51 = arith.constant dense<0.000000e+00> : vector<1024x512xf32>
    %dot_general3A_52 = tpu.matmul %get3A_1, %get3A_50, %dot_general3A_51 {dimension_numbers = #tpu.dot_dimension_numbers<[1], [0], [0], [1], [0, 0, 1, 1], [], []>, transpose_lhs_hint = false} : vector<1024x512xbf16>, vector<512x512xf32>, vector<1024x512xf32> -> vector<1024x512xf32>
    %slice3A_53 = vector.extract_strided_slice %get3A_4 {offsets = [0, 4], sizes = [1024, 1], strides = [1, 1]} : vector<1024x8xf32> to vector<1024x1xf32>
    %mul3A_54 = vector.broadcast %slice3A_53 : vector<1024x1xf32> to vector<1024x512xf32>
    %mul3A_55 = arith.mulf %mul3A_54, %dot_general3A_52 : vector<1024x512xf32>
    %add3A_56 = arith.addf %add3A_45, %mul3A_55 : vector<1024x512xf32>
    %get3A_57 = arith.constant 5 : index
    %get3A_58 = arith.constant 0 : index
    %get3A_59 = arith.constant 0 : index
    %get3A_60 = vector.load %arg3[%get3A_57, %get3A_58, %get3A_59] : memref<8x512x512xf32, #tpu.memory_space<vmem>>, vector<1x512x512xf32>
    %get3A_61 = vector.shape_cast %get3A_60 : vector<1x512x512xf32> to vector<512x512xf32>
    %dot_general3A_62 = arith.constant dense<0.000000e+00> : vector<1024x512xf32>
    %dot_general3A_63 = tpu.matmul %get3A_1, %get3A_61, %dot_general3A_62 {dimension_numbers = #tpu.dot_dimension_numbers<[1], [0], [0], [1], [0, 0, 1, 1], [], []>, transpose_lhs_hint = false} : vector<1024x512xbf16>, vector<512x512xf32>, vector<1024x512xf32> -> vector<1024x512xf32>
    %slice3A_64 = vector.extract_strided_slice %get3A_4 {offsets = [0, 5], sizes = [1024, 1], strides = [1, 1]} : vector<1024x8xf32> to vector<1024x1xf32>
    %mul3A_65 = vector.broadcast %slice3A_64 : vector<1024x1xf32> to vector<1024x512xf32>
    %mul3A_66 = arith.mulf %mul3A_65, %dot_general3A_63 : vector<1024x512xf32>
    %add3A_67 = arith.addf %add3A_56, %mul3A_66 : vector<1024x512xf32>
    %get3A_68 = arith.constant 6 : index
    %get3A_69 = arith.constant 0 : index
    %get3A_70 = arith.constant 0 : index
    %get3A_71 = vector.load %arg3[%get3A_68, %get3A_69, %get3A_70] : memref<8x512x512xf32, #tpu.memory_space<vmem>>, vector<1x512x512xf32>
    %get3A_72 = vector.shape_cast %get3A_71 : vector<1x512x512xf32> to vector<512x512xf32>
    %dot_general3A_73 = arith.constant dense<0.000000e+00> : vector<1024x512xf32>
    %dot_general3A_74 = tpu.matmul %get3A_1, %get3A_72, %dot_general3A_73 {dimension_numbers = #tpu.dot_dimension_numbers<[1], [0], [0], [1], [0, 0, 1, 1], [], []>, transpose_lhs_hint = false} : vector<1024x512xbf16>, vector<512x512xf32>, vector<1024x512xf32> -> vector<1024x512xf32>
    %slice3A_75 = vector.extract_strided_slice %get3A_4 {offsets = [0, 6], sizes = [1024, 1], strides = [1, 1]} : vector<1024x8xf32> to vector<1024x1xf32>
    %mul3A_76 = vector.broadcast %slice3A_75 : vector<1024x1xf32> to vector<1024x512xf32>
    %mul3A_77 = arith.mulf %mul3A_76, %dot_general3A_74 : vector<1024x512xf32>
    %add3A_78 = arith.addf %add3A_67, %mul3A_77 : vector<1024x512xf32>
    %get3A_79 = arith.constant 7 : index
    %get3A_80 = arith.constant 0 : index
    %get3A_81 = arith.constant 0 : index
    %get3A_82 = vector.load %arg3[%get3A_79, %get3A_80, %get3A_81] : memref<8x512x512xf32, #tpu.memory_space<vmem>>, vector<1x512x512xf32>
    %get3A_83 = vector.shape_cast %get3A_82 : vector<1x512x512xf32> to vector<512x512xf32>
    %dot_general3A_84 = arith.constant dense<0.000000e+00> : vector<1024x512xf32>
    %dot_general3A_85 = tpu.matmul %get3A_1, %get3A_83, %dot_general3A_84 {dimension_numbers = #tpu.dot_dimension_numbers<[1], [0], [0], [1], [0, 0, 1, 1], [], []>, transpose_lhs_hint = false} : vector<1024x512xbf16>, vector<512x512xf32>, vector<1024x512xf32> -> vector<1024x512xf32>
    %slice3A_86 = vector.extract_strided_slice %get3A_4 {offsets = [0, 7], sizes = [1024, 1], strides = [1, 1]} : vector<1024x8xf32> to vector<1024x1xf32>
    %mul3A_87 = vector.broadcast %slice3A_86 : vector<1024x1xf32> to vector<1024x512xf32>
    %mul3A_88 = arith.mulf %mul3A_87, %dot_general3A_85 : vector<1024x512xf32>
    %add3A_89 = arith.addf %add3A_78, %mul3A_88 : vector<1024x512xf32>
    %get3A_90 = arith.constant 0 : index
    %get3A_91 = arith.constant 0 : index
    %get3A_92 = vector.load %arg4[%get3A_90, %get3A_91] : memref<512x2048xf32, #tpu.memory_space<vmem>>, vector<512x2048xf32>
    %dot_general3A_93 = arith.constant dense<0.000000e+00> : vector<1024x2048xf32>
    %dot_general3A_94 = tpu.matmul %add3A_89, %get3A_92, %dot_general3A_93 {dimension_numbers = #tpu.dot_dimension_numbers<[1], [0], [0], [1], [0, 0, 1, 1], [], []>, transpose_lhs_hint = false} : vector<1024x512xf32>, vector<512x2048xf32>, vector<1024x2048xf32> -> vector<1024x2048xf32>
    %swap3A = arith.constant 0 : index
    %swap3A_95 = arith.constant 0 : index
    %swap3A_96 = vector.load %arg5[%swap3A, %swap3A_95] : memref<1024x2048xf32, #tpu.memory_space<vmem>>, vector<1024x2048xf32>
    tpu.vector_store %arg5[%swap3A, %swap3A_95], %dot_general3A_94 {strides = array<i32>} : memref<1024x2048xf32, #tpu.memory_space<vmem>>, vector<1024x2048xf32>,
    return
  }
  func.func @transform_0(%arg0: i32) -> (i32, i32) {
    %c0_i32 = arith.constant 0 : i32
    %c0_i32_0 = arith.constant 0 : i32
    return %arg0, %c0_i32 : i32, i32
  }
  func.func @transform_1(%arg0: i32) -> (i32, i32) {
    %c0_i32 = arith.constant 0 : i32
    %c0_i32_0 = arith.constant 0 : i32
    return %arg0, %c0_i32 : i32, i32
  }
  func.func @transform_2(%arg0: i32) -> (i32, i32, i32) {
    %c0_i32 = arith.constant 0 : i32
    %c0_i32_0 = arith.constant 0 : i32
    %c0_i32_1 = arith.constant 0 : i32
    %c0_i32_2 = arith.constant 0 : i32
    return %c0_i32, %c0_i32_0, %c0_i32_1 : i32, i32, i32
  }
  func.func @transform_3(%arg0: i32) -> (i32, i32) {
    %c0_i32 = arith.constant 0 : i32
    %c0_i32_0 = arith.constant 0 : i32
    %c0_i32_1 = arith.constant 0 : i32
    return %c0_i32, %c0_i32_0 : i32, i32
  }
  func.func @transform_4(%arg0: i32) -> (i32, i32) {
    %c0_i32 = arith.constant 0 : i32
    %c0_i32_0 = arith.constant 0 : i32
    return %arg0, %c0_i32 : i32, i32
  }
}

</mosaic_0001>

<sc_bundles>
// kernel: kernel.5.cloned.1.call-start
scs
__scs_entry_jumppad:
0x0: {  	(pc) =	sbr.rel $0x88, $3  }
0x1: {  	(tag) =	ssettag $0x0;
	lr =	simm.s32 $0x1  }
0x2: {  	[smem:$0x3F9B] =	sst lr;
	_ =	strace $0xD0000000  }
0x3: {  	_ = 	snop  }
0x4: {  	_ = 	snop  }
0x5: {  	_ = 	snop  }
0x6: {  	_ = 	snop  }
0x7: {  	_ = 	snop  }
__scs_overlays_trampoline_lowered:
0x8: {  	[smem:$0x3FAA] =	sst s0  }
0x9: {  	[smem:$0x3FAB] =	sst s1  }
0xa: {  	[smem:$0x3FAC] =	sst s2  }
0xb: {  	[smem:$0x3FAD] =	sst s3  }
0xc: {  	[smem:$0x3FAE] =	sst s4  }
0xd: {  	[smem:$0x3FAF] =	sst s5  }
0xe: {  	[smem:$0x3FB0] =	sst s6  }
0xf: {  	[smem:$0x3FB1] =	sst s7  }
0x10: {  	[smem:$0x3FB2] =	sst s8  }
0x11: {  	[smem:$0x3FB3] =	sst s9;
	s0 =	simm.s32 @!p0 $0x0  }
0x12: {  	s1 =	sld [smem:$0x3F99];
	s0 =	simm.s32 @p0 $0x1  }
0x13: {  	[smem:$0x3FB4] =	sst s0;
	s0 =	simm.s32 @!p1 $0x0  }
0x14: {  	s2 =	sld [smem:$0x3F98];
	s0 =	simm.s32 @p1 $0x1  }
0x15: {  	[smem:$0x3FB5] =	sst s0;
	s0 =	simm.s32 @!p2 $0x0  }
0x16: {  	s3 =	sld [smem:$0x3FDB];
	s0 =	simm.s32 @p2 $0x1  }
0x17: {  	s4 =	simm.s32 $0x1BF5;
	[smem:$0x3FB7] =	sst s0  }
0x18: {  	s0 =	sld [smem:$0x3F9A];
	_ =	swait.ge [sflag:s4], $0x0  }
0x19: {  	s7 =	sld [smem:$0x3F9B]  }
0x1a: {  	s8 =	sadd.s32 $0xFFFFE003, lr  }
0x1b: {  	s9 =	sadd.s32 $0xFFFFFEF7, lr;
	s5 =	simm.s32 $0xFFFFFFFF;
	p2 =	slt.u32 s8, $0xFFFFF086  }
0x1c: {  	p1 =	slt.u32 s9, $0xF7A;
	s5 =	simm.s32 @!p2 $0x0  }
0x1d: {  	s5 =	simm.s32 @p1 $0x1;
	p0 =	seq.s32 s7, s2  }
0x1e: {  	s7 =	smul.u32 @!p0 $0xF7A, s2;
	p2 =	seq.s32 @!p0 s5, $0x0  }
0x1f: {  	s9 =	smul.u32 $0xF7A, s1;
	s8 =	simm.s32 @!p0 $0x1BF5;
	p2 =	por !p2, p0  }
0x20: {  	[sflag:s8] =	ssyncset.s32 @!p0 $0xFFFFF086;
	s6 =	sadd.s32 @!p0 s3, s7;
	s7 =	simm.s32 @!p0 $0x108  }
0x21: {  	s3 =	sadd.s32 s3, s9;
	s6 =	sadd.s32 @!p0 $0x88, s6;
	s7 =	simm.s32 @p2 $0x1082  }
0x22: {  	[simem:s7], [sflag:s8] =	dma.local @!p0 [hbm:s6], $0xF7A  }
0x23: {  	s9 =	sor.u32 $0xD0000000, s2;
	s6 =	simm.s32 $0x108;
	_ =	swait.ge @!p0 [sflag:s8], $0x0  }
0x24: {  	s3 =	sadd.s32 $0x88, s3;
	s6 =	simm.s32 @!p1 $0x1082;
	[sflag:s4] =	ssyncset.s32 $0xFFFFF086  }
0x25: {  	[simem:s6], [sflag:s4] =	dma.local [hbm:s3], $0xF7A  }
0x26: {  	[smem:$0x3F9B] =	sst s1;
	(tag) =	ssettag s2;
	_ =	strace s9  }
0x27: {  	s1 =	sld [smem:$0x3FAB]  }
0x28: {  	s2 =	sld [smem:$0x3FAC]  }
0x29: {  	s4 =	sld [smem:$0x3FAE]  }
0x2a: {  	p0 =	seq.s32 s5, $0x0;
	s5 =	sld [smem:$0x3FAF]  }
0x2b: {  	s6 =	sld [smem:$0x3FB0]  }
0x2c: {  	s7 =	sld [smem:$0x3FB1]  }
0x2d: {  	s3 =	simm.s32 $0x108;
	s8 =	sld [smem:$0x3FB2]  }
0x2e: {  	s3 =	simm.s32 @!p0 $0x1082;
	s9 =	sld [smem:$0x3FB3]  }
0x2f: {  	lr =	sadd.s32 s0, s3;
	s0 =	sld [smem:$0x3FAA]  }
0x30: {  	s3 =	sld [smem:$0x3FAD]  }
0x31: {  	[smem:$0x3FB6] =	sst s10  }
0x32: {  	s10 =	sld [smem:$0x3FB4];
	_ =	sdelay $0x3  }
0x33: {  	p0 =	seq.s32 s10, $0x1;
	s10 =	sld [smem:$0x3FB6];
	_ =	sdelay $0x3  }
0x34: {  	[smem:$0x3FB6] =	sst s10  }
0x35: {  	s10 =	sld [smem:$0x3FB5];
	_ =	sdelay $0x3  }
0x36: {  	p1 =	seq.s32 s10, $0x1;
	s10 =	sld [smem:$0x3FB6];
	_ =	sdelay $0x3  }
0x37: {  	[smem:$0x3FB6] =	sst s10  }
0x38: {  	s10 =	sld [smem:$0x3FB7]  }
0x39: {  	_ = 	snop;
	(pc) =	sbr.ind lr, $3  }
0x3a: {  	_ = 	snop  }
0x3b: {  	_ = 	snop  }
0x3c: {  	p2 =	seq.s32 s10, $0x1;
	s10 =	sld [smem:$0x3FB6]  }
0x3d: {  	_ =	shalt  }
0x3e: {  	_ =	shalt  }
0x3f: {  	_ =	shalt  }
0x40: {  	_ =	shalt  }
0x41: {  	_ =	shalt  }
0x42: {  	_ =	shalt  }
0x43: {  	_ =	shalt  }
0x44: {  	_ =	shalt  }
0x45: {  	_ =	shalt  }
0x46: {  	_ =	shalt  }
0x47: {  	_ =	shalt  }
0x48: {  	_ =	shalt  }
0x49: {  	_ =	shalt  }
0x4a: {  	_ =	shalt  }
0x4b: {  	_ =	shalt  }
0x4c: {  	_ =	shalt  }
0x4d: {  	_ =	shalt  }
0x4e: {  	_ =	shalt  }
0x4f: {  	_ =	shalt  }
0x50: {  	_ =	shalt  }
0x51: {  	_ =	shalt  }
0x52: {  	_ =	shalt  }
0x53: {  	_ =	shalt  }
0x54: {  	_ =	shalt  }
0x55: {  	_ =	shalt  }
0x56: {  	_ =	shalt  }
0x57: {  	_ =	shalt  }
0x58: {  	_ =	shalt  }
0x59: {  	_ =	shalt  }
0x5a: {  	_ =	shalt  }
0x5b: {  	_ =	shalt  }
0x5c: {  	_ =	shalt  }
0x5d: {  	_ =	shalt  }
0x5e: {  	_ =	shalt  }
0x5f: {  	_ =	shalt  }
0x60: {  	_ =	shalt  }
0x61: {  	_ =	shalt  }
0x62: {  	_ =	shalt  }
0x63: {  	_ =	shalt  }
0x64: {  	_ =	shalt  }
0x65: {  	_ =	shalt  }
0x66: {  	_ =	shalt  }
0x67: {  	_ =	shalt  }
0x68: {  	_ =	shalt  }
0x69: {  	_ =	shalt  }
0x6a: {  	_ =	shalt  }
0x6b: {  	_ =	shalt  }
0x6c: {  	_ =	shalt  }
0x6d: {  	_ =	shalt  }
0x6e: {  	_ =	shalt  }
0x6f: {  	_ =	shalt  }
0x70: {  	_ =	shalt  }
0x71: {  	_ =	shalt  }
0x72: {  	_ =	shalt  }
0x73: {  	_ =	shalt  }
0x74: {  	_ =	shalt  }
0x75: {  	_ =	shalt  }
0x76: {  	_ =	shalt  }
0x77: {  	_ =	shalt  }
0x78: {  	_ =	shalt  }
0x79: {  	_ =	shalt  }
0x7a: {  	_ =	shalt  }
0x7b: {  	_ =	shalt  }
0x7c: {  	_ =	shalt  }
0x7d: {  	_ =	shalt  }
0x7e: {  	_ =	shalt  }
0x7f: {  	_ =	shalt  }
0x80: {  	_ =	shalt  }
0x81: {  	_ =	shalt  }
0x82: {  	_ =	shalt  }
0x83: {  	_ =	shalt  }
0x84: {  	_ =	shalt  }
0x85: {  	_ =	shalt  }
0x86: {  	_ =	shalt  }
0x87: {  	_ =	shalt  }
.Lfunc_end0:
.L_simem_size_0:
called_computation_lowered:
.L_overlay_start_0:
0x88: {  	s2 =	sld [smem:$0x3FD9]  }
0x89: {  	s3 =	sld [smem:$0x3FFE];
	_ =	sdelay $0x1  }
0x8a: {  	s1 =	srdreg.scid  }
0x8b: {  	s0 =	sand.u32 $0x1, s1  }
0x8c: {  	s17 =	sshll.u32 s0, $0xA;
	s2 =	sadd.s32 s3, s2  }
0x8d: {  	s2 =	sadd.s32 s2, s17  }
0x8e: {  	[smem:$0x3FC2] =	sst s2  }
0x8f: {  	_ = 	snop  }
0x90: {  	s2 =	sld [smem:$0x3FD0];
	(tm) =	ssettm $0x1  }
0x91: {  	s18 =	sld [smem:$0x3FFB];
	_ =	sdelay $0x3  }
0x92: {  	_ =	strace s18  }
0x93: {  	s3 =	sld [smem:$0x3FFC];
	_ =	sdelay $0x3  }
0x94: {  	_ =	strace s3  }
0x95: {  	s3 =	sld [smem:$0x3FFD];
	_ =	sdelay $0x3  }
0x96: {  	_ =	strace s3  }
0x97: {  	_ =	strace $0x8FFFFFFF  }
0x98: {  	s19 =	sld [smem:$0x3FDB];
	_ =	sdelay $0x1  }
0x99: {  	s4 =	simm.s32 $_scs_section_size  }
0x9a: {  	s5 =	simm.s32 $_size__tile_overlayer_lowered;
	s6 =	simm.s32 $_tile_overlayer_lowered  }
0x9b: {  	s22 =	simm.s32 $0x1BFF;
	s21 =	sshll.u32 s6, $0x1;
	s3 =	sadd.s32 s4, s19  }
0x9c: {  	s7 =	simm.s32 $0x0;
	s20 =	sshll.u32 s5, $0x1;
	s5 =	sadd.s32 s21, s3  }
0x9d: {  	[timem:s7], [sflag:s22] =	dma.local [hbm:s5], s20  }
0x9e: {  	_ =	swait.ge [sflag:s22], s20  }
0x9f: {  	s4 =	ssub.s32 $0x0, s20;
	[sflag:s22] =	ssyncset.done $0x0  }
0xa0: {  	[sflag:s22] =	ssyncadd.s32 s4;
	_ =	sdelay $0x1  }
0xa1: {  	s23 =	simm.s32 $0x1B8B  }
0xa2: {  	_ =	swait.ge [sflag:s23], $0x1  }
0xa3: {  	[sflag:s23] =	ssyncset.done $0x0  }
0xa4: {  	s25 =	simm.s32 $0x1B8E;
	s24 =	sld [smem:$0x3FFE];
	[sflag:s23] =	ssyncadd.s32 $0xFFFFFFFF  }
0xa5: {  	s26 =	simm.s32 $execute0_lowered;
	[smem:$0x3FD2] =	sst s25  }
0xa6: {  	s5 =	sshll.u32 s26, $0x1;
	_ =	strace $0x80000046;
	[dreg:$0x1] =	wrdreg $0xFFFFFFFF  }
0xa7: {  	s28 =	simm.s32 $_size_execute0_lowered;
	s3 =	sadd.s32 s3, s5;
	[dreg:$0x0] =	wrdreg $0x0  }
0xa8: {  	s5 =	sshll.u32 s28, $0x1;
	[dreg:$0x2] =	wrdreg s3  }
0xa9: {  	[dreg:$0x3] =	wrdreg s5  }
0xaa: {  	[dreg:$0x4] =	wrdreg $0xC0  }
0xab: {  	_ =	task [dreg:s7], $0x5FFFF  }
0xac: {  	[dreg:$0x1] =	wrdreg $0xFFFFFFFF  }
0xad: {  	[dreg:$0x0] =	wrdreg $0x60  }
0xae: {  	[dreg:$0x2] =	wrdreg s2  }
0xaf: {  	[dreg:$0x3] =	wrdreg s24  }
0xb0: {  	[dreg:$0x4] =	wrdreg $0x9  }
0xb1: {  	_ =	task.clear_ibuf [dreg:s7], $0x5FFFF;
	_ =	strace $0x90000046  }
0xb2: {  	s29 =	simm.s32 $0x9;
	_ =	strace $0x80000048  }
0xb3: {  	_ =	swait.ge [sflag:s29], $0x1  }
0xb4: {  	[sflag:s29] =	ssyncadd.s32 $0xFFFFFFFF  }
0xb5: {  	_ =	strace $0x90000048  }
0xb6: {  	_ =	sfence  }
0xb7: {  	s30 =	sld [smem:$0x0];
	_ =	sdelay $0x2  }
0xb8: {  	s31 =	sshll.u32 s1, $0xD;
	s1 =	sshrl.u32 s1, $0x2  }
0xb9: {  	s3 =	sand.u32 $0x4000, s31;
	s1 =	sadd.s32 s1, s30  }
0xba: {  	s0 =	sor.u32 s3, s0;
	s1 =	sshll.u32 s1, $0x11  }
0xbb: {  	s0 =	sor.u32 s1, s0  }
0xbc: {  	s0 =	sadd.s32 $0x8F2B, s0  }
0xbd: {  	[sflag:s0] =	ssyncadd.remote.s32 $0x1  }
0xbe: {  	_ =	sfence.sel $0xFFFF  }
0xbf: {  	[dreg:$0x0] =	wrdreg $0xFFFFFFFF;
	(pc) =	sbr.abs _section_cstart, $3  }
0xc0: {  	[dreg:$0x1] =	wrdreg $0xFFFFFFFF  }
0xc1: {  	_ =	task.clear_ibuf [dreg:s7], $0x2FFFF;
	_ =	strace $0x9FFFFFFF  }
0xc2: {  	(tm) =	ssettm $0x7FFFFFFF  }
0xc3: {  	_ =	shalt  }
tec
execute0_lowered:
.L_overlay_start_1:
0x0: {  	(tag) =	ssettag $0x1  }
0x1: {  	v0 =	vimm.s32 $0xEFCDAB89;
	v1 =	vimm.s32 $0x67452301;
	v2 =	vimm.s32 $0xDCFE98BA  }
0x2: {  	v3 =	vimm.s32 $0x54761032;
	v0 =	vunpack.c.l.s4.s8 v0;
	v1 =	vunpack.c.l.s4.s8 v1  }
0x3: {  	s3 =	rddreg [dreg:$0x0];
	v4 =	vimm.s32 $0xBA98FEDC;
	v5 =	vimm.s32 $0x32107654;
	v2 =	vunpack.c.l.s4.s8 v2  }
0x4: {  	s4 =	rddreg [dreg:$0x1];
	v3 =	vunpack.c.l.s4.s8 v3;
	v0 =	vunpack.c.0.s8.s32 v0;
	v1 =	vunpack.c.0.s8.s32 v1  }
0x5: {  	s0 =	rddreg [dreg:$0x2];
	s5 =	srdreg.scid;
	v4 =	vunpack.c.l.s4.s8 v4;
	v5 =	vunpack.c.l.s4.s8 v5  }
0x6: {  	s2 =	simm.s32 $0x0;
	s1 =	stileid.u32;
	s8 =	simm.s32 $0x0;
	v2 =	vunpack.c.0.s8.s32 v2;
	v3 =	vunpack.c.0.s8.s32 v3;
	v0 =	vcombine.low v1, v0  }
0x7: {  	s5 =	sand.u32 $0x1, s5;
	s6 =	sshll.u32 s1, $0x8;
	[smem:$0x7FF] =	sst s2;
	v4 =	vunpack.c.0.s8.s32 v4;
	v5 =	vunpack.c.0.s8.s32 v5;
	v1 =	vlaneseq.u32  }
0x8: {  	s7 =	sshll.u32 s5, $0x7;
	s5 =	ssub.s32 $0x2, s5;
	_ =	strace $0x80000047;
	v3 =	vcombine.low v3, v2;
	v1 =	vand.u32 $0x7, v1;
	v0 =	vand.u32 $0xF, v0  }
0x9: {  	s6 =	sor.u32 s7, s6;
	s31 =	sshrl.u32 s5, $0x1;
	s7 =	simm.s32 $0x400;
	v4 =	vcombine.low v5, v4;
	v2 =	vperm.xlane v1, v0  }
0xa: {  	s4 =	sadd.s32 s6, s4;
	s5 =	ssub.s32 s5, s31;
	s3 =	sadd.s32 s3, s6  }
0xb: {  	s6 =	simm.s32 $0x1;
	s4 =	sadd.s32 $0x800, s4;
	s5 =	smax.u32 s5, $0x1;
	v3 =	vand.u32 $0xF, v3;
	v4 =	vand.u32 $0xF, v4;
	vm0 =	vlt.s32 v2, v1  }
.LBB2_1:
0xc: {  	[tilespmem:s2], [sflag:$0x1] =	stream.linear.gather [hbm4b:s3+s2], $0x400, $0x38;
	[tilespmem:$0x800] =	vst v63  }
0xd: {  	_ =	swait.ge [sflag:s6], $0x400  }
0xe: {  	[sflag:s6] =	ssyncset.done $0x0  }
0xf: {  	s9 =	simm.s32 $0x0;
	[sflag:s6] =	ssyncadd.s32 $0xFFFFFC00  }
0x10: {  	v5 =	vld [tilespmem:s9+$0x0];
	_ =	sdelay $0x4  }
0x11: {  	v6 =	vperm.xlane v5, v0;
	_ =	sdelay $0x1  }
0x12: {  	vm1 =	veq.f32 v6, v5  }
0x13: {  	vm2 =	vgt.f32 v6, v5;
	vm1 =	vmand vm1, vm0  }
0x14: {  	vm1 =	vmor vm2, vm1  }
0x15: {  	v8 =	vsel vm1, v6, v5  }
0x16: {  	v9 =	vsel vm1, v2, v1;
	v5 =	vsel vm1, v5, v6;
	v6 =	vsel vm1, v1, v2  }
0x17: {  	v10 =	vperm.xlane v8, v3;
	vm1 =	vlt.f32 v5, $-Inf;
	v11 =	vperm.xlane v9, v3  }
0x18: {  	vm2 =	vgt.f32 v5, $-Inf;
	vm3 =	veq.f32 v5, $-Inf;
	vm4 =	vlt.s32 v6, $0x8  }
0x19: {  	vm1 =	vmor vm2, vm1;
	vm2 =	vmand vm3, vm4  }
0x1a: {  	vm1 =	vmor vm1, vm2;
	vm2 =	veq.f32 v10, v8;
	vm3 =	vlt.s32 v11, v9  }
0x1b: {  	vm14 =	vgt.f32 v10, v8;
	vm2 =	vmand vm2, vm3  }
0x1c: {  	v12 =	vnsel vm1, $0xFF800000, v5;
	v6 =	vnsel vm1, $0x8, v6;
	vm1 =	vmor vm14, vm2  }
0x1d: {  	v13 =	vperm.xlane v12, v3;
	v14 =	vperm.xlane v6, v3;
	v7 =	vsel vm1, v10, v8  }
0x1e: {  	v5 =	vsel vm1, v11, v9;
	v15 =	vsel vm1, v8, v10;
	v9 =	vsel vm1, v9, v11  }
0x1f: {  	s10 =	simm.s32 $0x10;
	v12 =	vsel vm1, v13, v12;
	v8 =	vperm.xlane v7, v4;
	v11 =	vsel vm1, v14, v6  }
0x20: {  	v10 =	vld [tilespmem:s10+$0x0];
	v6 =	vperm.xlane v5, v4;
	vm1 =	veq.f32 v15, v12;
	vm2 =	vlt.s32 v9, v11  }
0x21: {  	vm3 =	vgt.f32 v15, v12;
	vm1 =	vmand vm1, vm2;
	vm2 =	veq.f32 v8, v7  }
0x22: {  	vm15 =	vgt.f32 v8, v7;
	vm1 =	vmor vm3, vm1;
	vm3 =	vlt.s32 v6, v5  }
0x23: {  	v12 =	vsel vm1, v15, v12;
	vm2 =	vmand vm2, vm3;
	v13 =	vsel vm1, v9, v11  }
0x24: {  	v14 =	vperm.xlane v12, v4;
	vm1 =	vmor vm15, vm2;
	v15 =	vperm.xlane v13, v4  }
0x25: {  	s11 =	simm.s32 $0x80;
	v11 =	vperm.xlane v10, v0;
	v9 =	vsel vm1, v7, v8  }
.LBB2_2:
0x26: {  	p0 =	sne.s32 s11, $0xFC0;
	v12 =	vsel vm1, v14, v12;
	v13 =	vsel vm1, v15, v13;
	v14 =	vsel vm1, v5, v6  }
0x27: {  	vm2 =	veq.f32 v9, v12;
	vm3 =	vlt.s32 v14, v13  }
0x28: {  	vm4 =	veq.f32 v11, v10;
	vm5 =	vgt.f32 v9, v12;
	vm2 =	vmand vm2, vm3  }
0x29: {  	vm3 =	vgt.f32 v11, v10;
	vm4 =	vmand vm4, vm0;
	vm2 =	vmor vm5, vm2  }
0x2a: {  	v15 =	vsel vm1, v8, v7;
	vm3 =	vmor vm3, vm4;
	v9 =	vsel vm2, v9, v12  }
0x2b: {  	v8 =	vsel vm3, v11, v10;
	v12 =	vsel vm3, v2, v1;
	v7 =	vadd.f32 v9, v15  }
0x2c: {  	v10 =	vsel vm3, v10, v11;
	v11 =	vsel vm3, v1, v2;
	v16 =	vperm.xlane v8, v3  }
0x2d: {  	vm3 =	vlt.f32 v10, $-Inf;
	v17 =	vperm.xlane v12, v3;
	(erf) = vrcp.f32 v7  }
0x2e: {  	vm4 =	vgt.f32 v10, $-Inf;
	vm5 =	veq.f32 v10, $-Inf;
	vm6 =	vlt.s32 v11, $0x8  }
0x2f: {  	vm3 =	vmor vm4, vm3;
	vm4 =	vmand vm5, vm6;
	vm5 =	vgt.f32 v16, v8  }
0x30: {  	vm3 =	vmor vm3, vm4;
	vm4 =	veq.f32 v16, v8;
	vm6 =	vlt.s32 v17, v12  }
0x31: {  	v10 =	vnsel vm3, $0xFF800000, v10;
	v11 =	vnsel vm3, $0x8, v11;
	vm3 =	vmand vm4, vm6  }
0x32: {  	v18 =	vperm.xlane v10, v3;
	v19 =	vperm.xlane v11, v3;
	vm3 =	vmor vm5, vm3  }
0x33: {  	v7 =	vsel vm3, v16, v8;
	v20 =	vsel vm3, v17, v12;
	v16 =	vsel vm3, v8, v16  }
0x34: {  	v17 =	vsel vm3, v12, v17;
	v18 =	vsel vm3, v18, v10;
	v8 =	vperm.xlane v7, v4  }
0x35: {  	v11 =	vsel vm3, v19, v11;
	v12 =	vperm.xlane v20, v4;
	vm3 =	vgt.f32 v16, v18  }
0x36: {  	vm4 =	veq.f32 v16, v18;
	vm5 =	vlt.s32 v17, v11;
	vm6 =	vgt.f32 v8, v7;
	v19 =	vpop (erf)  }
0x37: {  	s12 =	sshra.s32 s11, $0x2;
	v13 =	vsel vm2, v14, v13;
	vm7 =	veq.f32 v8, v7;
	v9 =	vmul.f32 v19, v9  }
0x38: {  	v21 =	vsel vm1, v6, v5;
	vm1 =	veq.s32 v13, v1;
	v5 =	vmovc v20;
	v14 =	vmul.f32 v19, v15;
	v10 =	vld [tilespmem:s12+$0x0]  }
.Ltmp0:
0x39: {  	vm2 =	vmand vm4, vm5;
	vm4 =	veq.s32 v21, v1;
	v6 =	vmovc v12;
	v9 =	vnsel vm1, $0x0, v9;
	(pc) =	sbr.rel @p0 .LBB2_2-.Ltmp0, $4  }
0x3a: {  	vm1 =	vmor vm3, vm2;
	vm2 =	vlt.s32 v6, v5;
	v9 =	vsel vm4, v14, v9  }
0x3b: {  	v12 =	vsel vm1, v16, v18;
	v13 =	vsel vm1, v17, v11;
	vm1 =	vmand vm7, vm2;
	[tilespmem:s9+$0x400] =	vst v9;
	s9 =	smov.u32 s10;
	s10 =	smov.u32 s12  }
0x3c: {  	v14 =	vperm.xlane v12, v4;
	v15 =	vperm.xlane v13, v4;
	vm1 =	vmor vm6, vm1  }
0x3d: {  	s11 =	sadd.s32 $0x40, s11;
	v9 =	vsel vm1, v7, v8;
	v11 =	vperm.xlane v10, v0  }
0x3e: {  	_ = 	snop  }
0x3f: {  	vm2 =	veq.f32 v11, v10  }
0x40: {  	vm3 =	vgt.f32 v11, v10;
	vm2 =	vmand vm2, vm0  }
0x41: {  	vm2 =	vmor vm3, vm2  }
0x42: {  	v12 =	vsel vm1, v14, v12;
	v13 =	vsel vm1, v15, v13;
	v47 =	vsel vm2, v11, v10  }
0x43: {  	v48 =	vsel vm2, v2, v1;
	v49 =	vsel vm2, v10, v11;
	v50 =	vsel vm2, v1, v2  }
0x44: {  	v16 =	vperm.xlane v47, v3;
	vm2 =	vlt.f32 v49, $-Inf;
	v17 =	vperm.xlane v48, v3  }
0x45: {  	vm3 =	vgt.f32 v49, $-Inf;
	vm4 =	veq.f32 v49, $-Inf;
	vm5 =	vlt.s32 v50, $0x8  }
0x46: {  	v18 =	vsel vm1, v5, v6;
	vm2 =	vmor vm3, vm2;
	vm3 =	vmand vm4, vm5  }
0x47: {  	vm2 =	vmor vm2, vm3;
	vm3 =	veq.f32 v16, v47;
	vm15 =	vlt.s32 v17, v48  }
0x48: {  	vm8 =	vgt.f32 v16, v47;
	v10 =	vnsel vm2, $0xFF800000, v49;
	vm3 =	vmand vm3, vm15  }
0x49: {  	v11 =	vnsel vm2, $0x8, v50;
	v19 =	vperm.xlane v10, v3;
	vm2 =	vmor vm8, vm3  }
0x4a: {  	v51 =	vperm.xlane v11, v3;
	v20 =	vsel vm2, v16, v47;
	v14 =	vsel vm2, v47, v16  }
0x4b: {  	v52 =	vsel vm2, v17, v48;
	v15 =	vsel vm2, v48, v17;
	v10 =	vsel vm2, v19, v10  }
0x4c: {  	v11 =	vsel vm2, v51, v11;
	v53 =	vperm.xlane v20, v4;
	v54 =	vperm.xlane v52, v4  }
0x4d: {  	vm2 =	veq.f32 v14, v10;
	vm10 =	vlt.s32 v15, v11;
	vm6 =	vgt.f32 v14, v10  }
0x4e: {  	vm2 =	vmand vm2, vm10;
	vm12 =	veq.f32 v53, v20;
	vm7 =	vlt.s32 v54, v52  }
0x4f: {  	vm9 =	vlt.s32 v18, v13;
	vm2 =	vmor vm6, vm2;
	vm6 =	vmand vm12, vm7  }
0x50: {  	v10 =	vsel vm2, v14, v10;
	v11 =	vsel vm2, v15, v11;
	vm2 =	vgt.f32 v53, v20  }
0x51: {  	v14 =	vperm.xlane v10, v4;
	v15 =	vperm.xlane v11, v4;
	vm2 =	vmor vm2, vm6  }
0x52: {  	vm11 =	vgt.f32 v9, v12;
	vm3 =	veq.f32 v9, v12;
	v55 =	vsel vm2, v20, v53  }
0x53: {  	v56 =	vsel vm2, v52, v54;
	v10 =	vsel vm2, v14, v10;
	v11 =	vsel vm2, v15, v11  }
0x54: {  	vm3 =	vmand vm3, vm9;
	vm13 =	veq.f32 v55, v10;
	vm14 =	vlt.s32 v56, v11  }
0x55: {  	vm3 =	vmor vm11, vm3;
	vm15 =	vgt.f32 v55, v10;
	vm4 =	vmand vm13, vm14  }
0x56: {  	v7 =	vsel vm1, v8, v7;
	v57 =	vsel vm3, v9, v12;
	vm4 =	vmor vm15, vm4  }
0x57: {  	v9 =	vadd.f32 v57, v7;
	v58 =	vsel vm2, v53, v20;
	v10 =	vsel vm4, v55, v10  }
0x58: {  	v59 =	vadd.f32 v10, v58  }
0x59: {  	(erf) = vrcp.f32 v9  }
0x5a: {  	(erf) = vrcp.f32 v59;
	_ =	sdelay $0x5  }
0x5b: {  	v5 =	vsel vm1, v6, v5;
	_ =	sdelay $0x1  }
0x5c: {  	v13 =	vsel vm3, v18, v13;
	vm3 =	veq.s32 v5, v1;
	v60 =	vpop (erf)  }
0x5d: {  	vm1 =	veq.s32 v13, v1;
	v63 =	vsel vm2, v54, v52;
	v8 =	vmul.f32 v60, v57;
	v5 =	vpop (erf)  }
0x5e: {  	v61 =	vsel vm4, v56, v11;
	v6 =	vmul.f32 v60, v7;
	v62 =	vmul.f32 v5, v10  }
0x5f: {  	v7 =	vnsel vm1, $0x0, v8;
	vm1 =	veq.s32 v61, v1;
	v5 =	vmul.f32 v5, v58  }
0x60: {  	s8 =	sadd.s32 $0x1, s8;
	vm2 =	veq.s32 v63, v1;
	v6 =	vsel vm3, v6, v7;
	v7 =	vnsel vm1, $0x0, v62  }
0x61: {  	p0 =	sne.s32 s8, s5;
	[tilespmem:s9+$0x400] =	vst v6;
	v5 =	vsel vm2, v5, v7  }
.Ltmp1:
0x62: {  	[tilespmem:s10+$0x400] =	vst v5;
	(pc) =	sbr.rel @p0 .LBB2_1-.Ltmp1, $4  }
0x63: {  	[hbm4b:s4+s2] =	stream.linear.scatter [tilespmem:s7], [sflag:$0x1], $0x400, $0x38;
	[tilespmem:$0x800] =	vst v63  }
0x64: {  	_ =	swait.ge [sflag:s6], $0x400  }
0x65: {  	[sflag:s6] =	ssyncset.done $0x0  }
0x66: {  	[sflag:s6] =	ssyncadd.s32 $0xFFFFFC00  }
0x67: {  	_ =	sfence.sel $0x180000  }
0x68: {  	[bflag:$0x0] =	sbarrier.arrive $0xFFFF  }
0x69: {  	p0 =	sne.s32 s1, $0x0;
	_ =	strace $0x90000047  }
0x6a: {  	s0 =	sadd.s32 @!p0 $0x100000, s0;
	[bflag:$0x2] =	sbarrier.arrive $0xFFFF  }
0x6b: {  	[sflag:s0] =	ssyncadd.tile.s32 @!p0 $0x1;
	_ =	shalt  }
.Lfunc_end2:
_tile_overlayer_lowered:
.L_overlay_start_2:
0x6c: {  	(tag) =	ssettag $0x2  }
0x6d: {  	s0 =	rddreg [dreg:$0x0];
	s2 =	stileid.u32  }
0x6e: {  	s1 =	rddreg [dreg:$0x1];
	p0 =	sne.s32 s2, $0x0  }
0x6f: {  	s3 =	rddreg [dreg:$0x2];
	[bflag:$0x3] =	sbarrier.arrive $0xFFFF;
	s2 =	simm.s32 @!p0 $0x1C01  }
0x70: {  	[timem:s3], [sflag:s2] =	dma.local @!p0 [hbm:s0], s1  }
0x71: {  	s0 =	simm.s32 @!p0 $0x1  }
0x72: {  	_ =	swait.ge @!p0 [sflag:s0], s1  }
0x73: {  	s1 =	ssub.s32 @!p0 $0x0, s1;
	[sflag:s0] =	ssyncset.done @!p0 $0x0  }
0x74: {  	[sflag:s0] =	ssyncadd.s32 @!p0 s1  }
0x75: {  	[bflag:$0x3] =	sbarrier.arrive $0xFFFF  }
0x76: {  	_ =	shalt  }

</sc_bundles>
